<compile_context>
chip_gen: v7x
topology: tpu7x:2x2x1
jax: 0.10.2.dev20260603
libtpu: 0.0.44.dev20260713+nightly
codegen_flags: <defaults>
</compile_context>

<pallas_src>
import functools

import jax
import jax.numpy as jnp
from jax import lax
from jax.experimental import pallas as pl
from jax.experimental.pallas import tpu as pltpu
from jax.experimental.pallas import tpu_sc as plsc

V = 8192
N = 32
H = V // 2

_NC = 2
_NS = 16


def _gather_body(table_hbm, x_hbm, out_hbm, xv, row, sem_in, sem_out):
  c = lax.axis_index("c")
  s = lax.axis_index("s")
  w = c * _NS + s
  pltpu.sync_copy(x_hbm, xv)
  ridx = jnp.full((16,), jnp.right_shift(w, 3), jnp.int32)
  cidx = jnp.full((16,), jnp.bitwise_and(w, 7), jnp.int32)
  tok = jnp.max(plsc.load_gather(xv, [ridx, cidx]))
  in0 = pltpu.async_copy(table_hbm.at[pl.ds(tok, 1), pl.ds(0, H)],
                         row.at[:, pl.ds(0, H)], sem_in)
  in1 = pltpu.async_copy(table_hbm.at[pl.ds(tok, 1), pl.ds(H, H)],
                         row.at[:, pl.ds(H, H)], sem_in)
  in0.wait()
  out0 = pltpu.async_copy(row.at[:, pl.ds(0, H)],
                          out_hbm.at[pl.ds(w, 1), pl.ds(0, H)], sem_out)
  in1.wait()
  out1 = pltpu.async_copy(row.at[:, pl.ds(H, H)],
                          out_hbm.at[pl.ds(w, 1), pl.ds(H, H)], sem_out)
  out0.wait()
  out1.wait()


@functools.lru_cache(maxsize=1)
def _make_gather():
  return pl.kernel(
      _gather_body,
      mesh=plsc.VectorSubcoreMesh(
          core_axis_name="c", subcore_axis_name="s",
          num_cores=_NC, num_subcores=_NS),
      out_type=jax.ShapeDtypeStruct((N, V), jnp.float32),
      compiler_params=pltpu.CompilerParams(needs_layout_passes=False),
      scratch_types=[
          pltpu.VMEM((4, 8), jnp.int32),
          pltpu.VMEM((1, V), jnp.float32),
          pltpu.SemaphoreType.DMA,
          pltpu.SemaphoreType.DMA,
      ],
  )


def _loss_body(y_ref, logits_ref, out_ref):
  l = logits_ref[...]
  m = jnp.max(l, axis=1, keepdims=True)
  ssum = jnp.sum(jnp.exp(l - m), axis=1, keepdims=True)
  lse = m + jnp.log(ssum)
  ids = lax.broadcasted_iota(jnp.int32, (N, V), 1)
  tgt = jnp.sum(jnp.where(ids == y_ref[...], l, 0.0), axis=1, keepdims=True)
  out_ref[0, 0] = jnp.sum(lse - tgt) * (1.0 / N)


_loss = pl.pallas_call(
    _loss_body,
    out_shape=jax.ShapeDtypeStruct((1, 1), jnp.float32),
    out_specs=pl.BlockSpec(memory_space=pltpu.SMEM),
)


def kernel(x, y, table):
  logits = _make_gather()(table, x.astype(jnp.int32))
  loss = _loss(y.reshape(N, 1).astype(jnp.int32), logits)[0, 0]
  return logits, loss

# --- scband reference (transcript-rebuilt; emitter-appended) ---
"""Pipeline reference for scband-bigram-language-model-45603962749145 (READ-ONLY COPY).

The authoritative reference and input builder live on the scoring server;
editing this copy changes nothing except your own understanding.
"""

import jax, jax.numpy as jnp
import numpy as np

BATCH_SIZE = 4
CHUNK_SIZE = 8
VOCAB_SIZE = 8192


def setup_inputs(seed: int = 0) -> dict:
    key = jax.random.key(seed)
    k1, k2, k3 = jax.random.split(key, 3)
    x = jax.random.randint(k1, (BATCH_SIZE, CHUNK_SIZE), 0, VOCAB_SIZE, dtype=jnp.int64 if jax.config.jax_enable_x64 else jnp.int32).astype(jnp.int32)
    y = jax.random.randint(k2, (BATCH_SIZE, CHUNK_SIZE), 0, VOCAB_SIZE, dtype=jnp.int64 if jax.config.jax_enable_x64 else jnp.int32).astype(jnp.int32)
    # learned parameter: token embedding table [vocab_size, vocab_size]
    table = jax.random.normal(k3, (VOCAB_SIZE, VOCAB_SIZE), dtype=jnp.float32) * 0.02
    return {"x": x, "y": y, "table": table}


def reference(x, y, table):
    # logits = self.token_embedding_table(x)  -> gather rows of table
    logits = jnp.take(table, x, axis=0)  # [B, T, V]
    # logits.view(batch_size * chunk_size, vocab_size)
    logits = logits.reshape(BATCH_SIZE * CHUNK_SIZE, VOCAB_SIZE)
    targets = y.reshape(BATCH_SIZE * CHUNK_SIZE)
    # F.cross_entropy (mean reduction)
    logp = jax.nn.log_softmax(logits, axis=-1)
    nll = -jnp.take_along_axis(logp, targets[:, None], axis=1)[:, 0]
    loss = jnp.mean(nll)
    return (logits, loss)

if __name__ == "__main__":
    import jax
    _d = setup_inputs()
    print(jax.jit(kernel)(*tuple(_d.values())))

</pallas_src>

<mosaic_0001>
#map = affine_map<(d0, d1) -> (0, 0)>
module attributes {stable_mosaic.version = 14 : i64} {
  func.func @_gather_body(%arg0: i32, %arg1: i32, %arg2: memref<8192x8192xf32, #tpu.memory_space<hbm>>, %arg3: memref<4x8xi32, #tpu.memory_space<hbm>>, %arg4: memref<32x8192xf32, #tpu.memory_space<hbm>>, %arg5: memref<4x8xi32, #tpu.memory_space<vmem>>, %arg6: memref<1x8192xf32, #tpu.memory_space<vmem>>, %arg7: memref<!tpu.dma_semaphore, #tpu.memory_space<semaphore_mem>>, %arg8: memref<!tpu.dma_semaphore, #tpu.memory_space<semaphore_mem>>) attributes {dimension_semantics = [#tpu.dimension_semantics<core_parallel>, #tpu.dimension_semantics<subcore_parallel>], iteration_bounds = array<i64: 2, 16>, scalar_prefetch = 0 : i64, scratch_operands = 4 : i64, tpu.core_type = #tpu.core_type<sc_vector_subcore>, window_params = [{transform_indices = #map}, {transform_indices = #map}, {transform_indices = #map}]} {
    %mul3A = arith.constant 16 : i32
    %mul3A_0 = arith.muli %arg0, %mul3A : i32
    %add3A = arith.addi %mul3A_0, %arg1 : i32
    "tpu.region"() ({
      %run_scoped3A = tpu.sem_alloc : memref<!tpu.dma_semaphore, #tpu.memory_space<semaphore_mem>>
      tpu.enqueue_dma source(%arg3 : memref<4x8xi32, #tpu.memory_space<hbm>>) target(%arg5 : memref<4x8xi32, #tpu.memory_space<vmem>>) target_semaphore(%run_scoped3A : memref<!tpu.dma_semaphore, #tpu.memory_space<semaphore_mem>>)
      tpu.wait_dma2 semaphore(%run_scoped3A : memref<!tpu.dma_semaphore, #tpu.memory_space<semaphore_mem>>) src(%arg3 : memref<4x8xi32, #tpu.memory_space<hbm>>) dst(%arg5 : memref<4x8xi32, #tpu.memory_space<vmem>>)
      tpu.yield
    }) : () -> ()
    %shift_right_arithmetic3A = arith.constant 3 : i32
    %shift_right_arithmetic3A_1 = arith.shrsi %add3A, %shift_right_arithmetic3A : i32
    %broadcast_in_dim3A = vector.broadcast %shift_right_arithmetic3A_1 : i32 to vector<16xi32>
    %and3A = arith.constant 7 : i32
    %and3A_2 = arith.andi %add3A, %and3A : i32
    %broadcast_in_dim3A_3 = vector.broadcast %and3A_2 : i32 to vector<16xi32>
    %gather3A = tpu.vector_load_idx %arg5[%broadcast_in_dim3A, %broadcast_in_dim3A_3] : memref<4x8xi32, #tpu.memory_space<vmem>>[vector<16xi32>, vector<16xi32>], vector<16xi32>,
    %reduce_max3A = arith.constant true
    %reduce_max3A_4 = vector.broadcast %reduce_max3A : i1 to vector<16xi1>
    %reduce_max3A_5 = arith.constant -2147483648 : i32
    %reduce_max3A_6 = vector.broadcast %reduce_max3A_5 : i32 to vector<16xi32>
    %reduce_max3A_7 = arith.xori %gather3A, %reduce_max3A_6 : vector<16xi32>
    %reduce_max3A_8 = tpu.scan <max>, %reduce_max3A_7 masked %reduce_max3A_4 : vector<16xi32>, vector<16xi1> -> vector<16xi32>
    %reduce_max3A_9 = arith.xori %reduce_max3A_8, %reduce_max3A_6 : vector<16xi32>
    %reduce_max3A_10 = vector.extract %reduce_max3A_9[15] : i32 from vector<16xi32>
    %dma_start3A = arith.constant 0 : i32
    %dma_start3A_11 = arith.constant 0 : i32
    %dma_start3A_12 = tpu.memref_slice %arg6[%dma_start3A, %dma_start3A_11] : memref<1x8192xf32, #tpu.memory_space<vmem>> -> memref<1x4096xf32, #tpu.memory_space<vmem>>
    %dma_start3A_13 = arith.constant 0 : i32
    %dma_start3A_14 = tpu.memref_slice %arg2[%reduce_max3A_10, %dma_start3A_13] : memref<8192x8192xf32, #tpu.memory_space<hbm>> -> memref<1x4096xf32, #tpu.memory_space<hbm>>
    %dma_start3A_15 = arith.constant 0 : i32
    %dma_start3A_16 = arith.constant 0 : i32
    %dma_start3A_17 = tpu.memref_slice %arg6[%dma_start3A_15, %dma_start3A_16] : memref<1x8192xf32, #tpu.memory_space<vmem>> -> memref<1x4096xf32, #tpu.memory_space<vmem>>
    %dma_start3A_18 = arith.constant 0 : i32
    %dma_start3A_19 = tpu.memref_slice %arg2[%reduce_max3A_10, %dma_start3A_18] : memref<8192x8192xf32, #tpu.memory_space<hbm>> -> memref<1x4096xf32, #tpu.memory_space<hbm>>
    tpu.enqueue_dma source(%dma_start3A_19 : memref<1x4096xf32, #tpu.memory_space<hbm>>) target(%dma_start3A_17 : memref<1x4096xf32, #tpu.memory_space<vmem>>) target_semaphore(%arg7 : memref<!tpu.dma_semaphore, #tpu.memory_space<semaphore_mem>>)
    %dma_start3A_20 = arith.constant 0 : i32
    %dma_start3A_21 = arith.constant 4096 : i32
    %dma_start3A_22 = tpu.memref_slice %arg6[%dma_start3A_20, %dma_start3A_21] : memref<1x8192xf32, #tpu.memory_space<vmem>> -> memref<1x4096xf32, #tpu.memory_space<vmem>>
    %dma_start3A_23 = arith.constant 4096 : i32
    %dma_start3A_24 = tpu.memref_slice %arg2[%reduce_max3A_10, %dma_start3A_23] : memref<8192x8192xf32, #tpu.memory_space<hbm>> -> memref<1x4096xf32, #tpu.memory_space<hbm>>
    %dma_start3A_25 = arith.constant 0 : i32
    %dma_start3A_26 = arith.constant 4096 : i32
    %dma_start3A_27 = tpu.memref_slice %arg6[%dma_start3A_25, %dma_start3A_26] : memref<1x8192xf32, #tpu.memory_space<vmem>> -> memref<1x4096xf32, #tpu.memory_space<vmem>>
    %dma_start3A_28 = arith.constant 4096 : i32
    %dma_start3A_29 = tpu.memref_slice %arg2[%reduce_max3A_10, %dma_start3A_28] : memref<8192x8192xf32, #tpu.memory_space<hbm>> -> memref<1x4096xf32, #tpu.memory_space<hbm>>
    tpu.enqueue_dma source(%dma_start3A_29 : memref<1x4096xf32, #tpu.memory_space<hbm>>) target(%dma_start3A_27 : memref<1x4096xf32, #tpu.memory_space<vmem>>) target_semaphore(%arg7 : memref<!tpu.dma_semaphore, #tpu.memory_space<semaphore_mem>>)
    %dma_wait3A = arith.constant 0 : i32
    %dma_wait3A_30 = arith.constant 0 : i32
    %dma_wait3A_31 = tpu.memref_slice %arg6[%dma_wait3A, %dma_wait3A_30] : memref<1x8192xf32, #tpu.memory_space<vmem>> -> memref<1x4096xf32, #tpu.memory_space<vmem>>
    %dma_wait3A_32 = arith.constant 0 : i32
    %dma_wait3A_33 = tpu.memref_slice %arg2[%reduce_max3A_10, %dma_wait3A_32] : memref<8192x8192xf32, #tpu.memory_space<hbm>> -> memref<1x4096xf32, #tpu.memory_space<hbm>>
    %dma_wait3A_34 = arith.constant 0 : i32
    %dma_wait3A_35 = arith.constant 0 : i32
    %dma_wait3A_36 = tpu.memref_slice %arg6[%dma_wait3A_34, %dma_wait3A_35] : memref<1x8192xf32, #tpu.memory_space<vmem>> -> memref<1x4096xf32, #tpu.memory_space<vmem>>
    %dma_wait3A_37 = arith.constant 0 : i32
    %dma_wait3A_38 = tpu.memref_slice %arg2[%reduce_max3A_10, %dma_wait3A_37] : memref<8192x8192xf32, #tpu.memory_space<hbm>> -> memref<1x4096xf32, #tpu.memory_space<hbm>>
    tpu.wait_dma2 semaphore(%arg7 : memref<!tpu.dma_semaphore, #tpu.memory_space<semaphore_mem>>) src(%dma_wait3A_38 : memref<1x4096xf32, #tpu.memory_space<hbm>>) dst(%dma_wait3A_36 : memref<1x4096xf32, #tpu.memory_space<vmem>>)
    %dma_start3A_39 = arith.constant 0 : i32
    %dma_start3A_40 = arith.constant 0 : i32
    %dma_start3A_41 = tpu.memref_slice %arg6[%dma_start3A_39, %dma_start3A_40] : memref<1x8192xf32, #tpu.memory_space<vmem>> -> memref<1x4096xf32, #tpu.memory_space<vmem>>
    %dma_start3A_42 = arith.constant 0 : i32
    %dma_start3A_43 = tpu.memref_slice %arg4[%add3A, %dma_start3A_42] : memref<32x8192xf32, #tpu.memory_space<hbm>> -> memref<1x4096xf32, #tpu.memory_space<hbm>>
    %dma_start3A_44 = arith.constant 0 : i32
    %dma_start3A_45 = tpu.memref_slice %arg4[%add3A, %dma_start3A_44] : memref<32x8192xf32, #tpu.memory_space<hbm>> -> memref<1x4096xf32, #tpu.memory_space<hbm>>
    %dma_start3A_46 = arith.constant 0 : i32
    %dma_start3A_47 = arith.constant 0 : i32
    %dma_start3A_48 = tpu.memref_slice %arg6[%dma_start3A_46, %dma_start3A_47] : memref<1x8192xf32, #tpu.memory_space<vmem>> -> memref<1x4096xf32, #tpu.memory_space<vmem>>
    tpu.enqueue_dma source(%dma_start3A_48 : memref<1x4096xf32, #tpu.memory_space<vmem>>) target(%dma_start3A_45 : memref<1x4096xf32, #tpu.memory_space<hbm>>) target_semaphore(%arg8 : memref<!tpu.dma_semaphore, #tpu.memory_space<semaphore_mem>>)
    %dma_wait3A_49 = arith.constant 0 : i32
    %dma_wait3A_50 = arith.constant 4096 : i32
    %dma_wait3A_51 = tpu.memref_slice %arg6[%dma_wait3A_49, %dma_wait3A_50] : memref<1x8192xf32, #tpu.memory_space<vmem>> -> memref<1x4096xf32, #tpu.memory_space<vmem>>
    %dma_wait3A_52 = arith.constant 4096 : i32
    %dma_wait3A_53 = tpu.memref_slice %arg2[%reduce_max3A_10, %dma_wait3A_52] : memref<8192x8192xf32, #tpu.memory_space<hbm>> -> memref<1x4096xf32, #tpu.memory_space<hbm>>
    %dma_wait3A_54 = arith.constant 0 : i32
    %dma_wait3A_55 = arith.constant 4096 : i32
    %dma_wait3A_56 = tpu.memref_slice %arg6[%dma_wait3A_54, %dma_wait3A_55] : memref<1x8192xf32, #tpu.memory_space<vmem>> -> memref<1x4096xf32, #tpu.memory_space<vmem>>
    %dma_wait3A_57 = arith.constant 4096 : i32
    %dma_wait3A_58 = tpu.memref_slice %arg2[%reduce_max3A_10, %dma_wait3A_57] : memref<8192x8192xf32, #tpu.memory_space<hbm>> -> memref<1x4096xf32, #tpu.memory_space<hbm>>
    tpu.wait_dma2 semaphore(%arg7 : memref<!tpu.dma_semaphore, #tpu.memory_space<semaphore_mem>>) src(%dma_wait3A_58 : memref<1x4096xf32, #tpu.memory_space<hbm>>) dst(%dma_wait3A_56 : memref<1x4096xf32, #tpu.memory_space<vmem>>)
    %dma_start3A_59 = arith.constant 0 : i32
    %dma_start3A_60 = arith.constant 4096 : i32
    %dma_start3A_61 = tpu.memref_slice %arg6[%dma_start3A_59, %dma_start3A_60] : memref<1x8192xf32, #tpu.memory_space<vmem>> -> memref<1x4096xf32, #tpu.memory_space<vmem>>
    %dma_start3A_62 = arith.constant 4096 : i32
    %dma_start3A_63 = tpu.memref_slice %arg4[%add3A, %dma_start3A_62] : memref<32x8192xf32, #tpu.memory_space<hbm>> -> memref<1x4096xf32, #tpu.memory_space<hbm>>
    %dma_start3A_64 = arith.constant 4096 : i32
    %dma_start3A_65 = tpu.memref_slice %arg4[%add3A, %dma_start3A_64] : memref<32x8192xf32, #tpu.memory_space<hbm>> -> memref<1x4096xf32, #tpu.memory_space<hbm>>
    %dma_start3A_66 = arith.constant 0 : i32
    %dma_start3A_67 = arith.constant 4096 : i32
    %dma_start3A_68 = tpu.memref_slice %arg6[%dma_start3A_66, %dma_start3A_67] : memref<1x8192xf32, #tpu.memory_space<vmem>> -> memref<1x4096xf32, #tpu.memory_space<vmem>>
    tpu.enqueue_dma source(%dma_start3A_68 : memref<1x4096xf32, #tpu.memory_space<vmem>>) target(%dma_start3A_65 : memref<1x4096xf32, #tpu.memory_space<hbm>>) target_semaphore(%arg8 : memref<!tpu.dma_semaphore, #tpu.memory_space<semaphore_mem>>)
    %dma_wait3A_69 = arith.constant 0 : i32
    %dma_wait3A_70 = arith.constant 0 : i32
    %dma_wait3A_71 = tpu.memref_slice %arg6[%dma_wait3A_69, %dma_wait3A_70] : memref<1x8192xf32, #tpu.memory_space<vmem>> -> memref<1x4096xf32, #tpu.memory_space<vmem>>
    %dma_wait3A_72 = arith.constant 0 : i32
    %dma_wait3A_73 = tpu.memref_slice %arg4[%add3A, %dma_wait3A_72] : memref<32x8192xf32, #tpu.memory_space<hbm>> -> memref<1x4096xf32, #tpu.memory_space<hbm>>
    %dma_wait3A_74 = arith.constant 0 : i32
    %dma_wait3A_75 = tpu.memref_slice %arg4[%add3A, %dma_wait3A_74] : memref<32x8192xf32, #tpu.memory_space<hbm>> -> memref<1x4096xf32, #tpu.memory_space<hbm>>
    %dma_wait3A_76 = arith.constant 0 : i32
    %dma_wait3A_77 = arith.constant 0 : i32
    %dma_wait3A_78 = tpu.memref_slice %arg6[%dma_wait3A_76, %dma_wait3A_77] : memref<1x8192xf32, #tpu.memory_space<vmem>> -> memref<1x4096xf32, #tpu.memory_space<vmem>>
    tpu.wait_dma2 semaphore(%arg8 : memref<!tpu.dma_semaphore, #tpu.memory_space<semaphore_mem>>) src(%dma_wait3A_78 : memref<1x4096xf32, #tpu.memory_space<vmem>>) dst(%dma_wait3A_75 : memref<1x4096xf32, #tpu.memory_space<hbm>>)
    %dma_wait3A_79 = arith.constant 0 : i32
    %dma_wait3A_80 = arith.constant 4096 : i32
    %dma_wait3A_81 = tpu.memref_slice %arg6[%dma_wait3A_79, %dma_wait3A_80] : memref<1x8192xf32, #tpu.memory_space<vmem>> -> memref<1x4096xf32, #tpu.memory_space<vmem>>
    %dma_wait3A_82 = arith.constant 4096 : i32
    %dma_wait3A_83 = tpu.memref_slice %arg4[%add3A, %dma_wait3A_82] : memref<32x8192xf32, #tpu.memory_space<hbm>> -> memref<1x4096xf32, #tpu.memory_space<hbm>>
    %dma_wait3A_84 = arith.constant 4096 : i32
    %dma_wait3A_85 = tpu.memref_slice %arg4[%add3A, %dma_wait3A_84] : memref<32x8192xf32, #tpu.memory_space<hbm>> -> memref<1x4096xf32, #tpu.memory_space<hbm>>
    %dma_wait3A_86 = arith.constant 0 : i32
    %dma_wait3A_87 = arith.constant 4096 : i32
    %dma_wait3A_88 = tpu.memref_slice %arg6[%dma_wait3A_86, %dma_wait3A_87] : memref<1x8192xf32, #tpu.memory_space<vmem>> -> memref<1x4096xf32, #tpu.memory_space<vmem>>
    tpu.wait_dma2 semaphore(%arg8 : memref<!tpu.dma_semaphore, #tpu.memory_space<semaphore_mem>>) src(%dma_wait3A_88 : memref<1x4096xf32, #tpu.memory_space<vmem>>) dst(%dma_wait3A_85 : memref<1x4096xf32, #tpu.memory_space<hbm>>)
    return
  }
}

module attributes {stable_mosaic.version = 14 : i64} {
  func.func @_loss_body(%arg0: memref<32x1xi32, #tpu.memory_space<vmem>>, %arg1: memref<32x8192xf32, #tpu.memory_space<vmem>>, %arg2: memref<1x1xf32, #tpu.memory_space<smem>>) attributes {dimension_semantics = [], scalar_prefetch = 0 : i64, scratch_operands = 0 : i64, tpu.core_type = #tpu.core_type<tc>} {
    %get3A = arith.constant 0 : index
    %get3A_0 = arith.constant 0 : index
    %get3A_1 = vector.load %arg1[%get3A, %get3A_0] : memref<32x8192xf32, #tpu.memory_space<vmem>>, vector<32x8192xf32>
    %reduce_max3A = arith.constant dense<0xFF800000> : vector<32xf32>
    %reduce_max3A_2 = vector.multi_reduction <maximumf>, %get3A_1, %reduce_max3A [1] : vector<32x8192xf32> to vector<32xf32>
    %broadcast_in_dim3A = vector.shape_cast %reduce_max3A_2 : vector<32xf32> to vector<32x1xf32>
    %sub3A = vector.broadcast %broadcast_in_dim3A : vector<32x1xf32> to vector<32x8192xf32>
    %sub3A_3 = arith.subf %get3A_1, %sub3A : vector<32x8192xf32>
    %exp3A = math.exp %sub3A_3 : vector<32x8192xf32>
    %reduce_sum3A = arith.constant dense<0.000000e+00> : vector<32xf32>
    %reduce_sum3A_4 = vector.multi_reduction <add>, %exp3A, %reduce_sum3A [1] : vector<32x8192xf32> to vector<32xf32>
    %broadcast_in_dim3A_5 = vector.shape_cast %reduce_sum3A_4 : vector<32xf32> to vector<32x1xf32>
    %log3A = math.log %broadcast_in_dim3A_5 : vector<32x1xf32>
    %add3A = arith.addf %broadcast_in_dim3A, %log3A : vector<32x1xf32>
    %iota3A = tpu.iota {dimensions = array<i32: 1>} : vector<32x8192xi32>
    %get3A_6 = arith.constant 0 : index
    %get3A_7 = arith.constant 0 : index
    %get3A_8 = vector.load %arg0[%get3A_6, %get3A_7] : memref<32x1xi32, #tpu.memory_space<vmem>>, vector<32x1xi32>
    %eq3A = vector.broadcast %get3A_8 : vector<32x1xi32> to vector<32x8192xi32>
    %eq3A_9 = arith.cmpi eq, %iota3A, %eq3A : vector<32x8192xi32>
    %jit3A = arith.constant 0.000000e+00 : f32
    %broadcast_in_dim3A_10 = vector.broadcast %jit3A : f32 to vector<32x8192xf32>
    %select_n3A = arith.select %eq3A_9, %get3A_1, %broadcast_in_dim3A_10 : vector<32x8192xi1>, vector<32x8192xf32>
    %reduce_sum3A_11 = arith.constant dense<0.000000e+00> : vector<32xf32>
    %reduce_sum3A_12 = vector.multi_reduction <add>, %select_n3A, %reduce_sum3A_11 [1] : vector<32x8192xf32> to vector<32xf32>
    %broadcast_in_dim3A_13 = vector.shape_cast %reduce_sum3A_12 : vector<32xf32> to vector<32x1xf32>
    %sub3A_14 = arith.subf %add3A, %broadcast_in_dim3A_13 : vector<32x1xf32>
    %reduce_sum3A_15 = vector.shape_cast %sub3A_14 : vector<32x1xf32> to vector<1x32x1xf32>
    %reduce_sum3A_16 = arith.constant dense<0.000000e+00> : vector<1xf32>
    %reduce_sum3A_17 = vector.multi_reduction <add>, %reduce_sum3A_15, %reduce_sum3A_16 [1, 2] : vector<1x32x1xf32> to vector<1xf32>
    %reduce_sum3A_18 = vector.shape_cast %reduce_sum3A_17 : vector<1xf32> to vector<1x1x1xf32>
    %reduce_sum3A_19 = vector.extract %reduce_sum3A_18[0, 0, 0] : f32 from vector<1x1x1xf32>
    %mul3A = arith.constant 3.125000e-02 : f32
    %mul3A_20 = arith.mulf %reduce_sum3A_19, %mul3A : f32
    %swap3A = arith.constant 0 : index
    %swap3A_21 = arith.constant 0 : index
    %swap3A_22 = memref.load %arg2[%swap3A, %swap3A_21] : memref<1x1xf32, #tpu.memory_space<smem>>
    memref.store %mul3A_20, %arg2[%swap3A, %swap3A_21] : memref<1x1xf32, #tpu.memory_space<smem>>
    return
  }
}

</mosaic_0001>

<sc_bundles>
// kernel: kernel.4.cloned.1.call-start
scs
__scs_entry_jumppad:
0x0: {  	(pc) =	sbr.rel $0x88, $3  }
0x1: {  	(tag) =	ssettag $0x0;
	lr =	simm.s32 $0x1  }
0x2: {  	[smem:$0x3F9E] =	sst lr;
	_ =	strace $0xD0000000  }
0x3: {  	_ = 	snop  }
0x4: {  	_ = 	snop  }
0x5: {  	_ = 	snop  }
0x6: {  	_ = 	snop  }
0x7: {  	_ = 	snop  }
__scs_overlays_trampoline_lowered:
0x8: {  	[smem:$0x3FAD] =	sst s0  }
0x9: {  	[smem:$0x3FAE] =	sst s1  }
0xa: {  	[smem:$0x3FAF] =	sst s2  }
0xb: {  	[smem:$0x3FB0] =	sst s3  }
0xc: {  	[smem:$0x3FB1] =	sst s4  }
0xd: {  	[smem:$0x3FB2] =	sst s5  }
0xe: {  	[smem:$0x3FB3] =	sst s6  }
0xf: {  	[smem:$0x3FB4] =	sst s7  }
0x10: {  	[smem:$0x3FB5] =	sst s8  }
0x11: {  	[smem:$0x3FB6] =	sst s9;
	s0 =	simm.s32 @!p0 $0x0  }
0x12: {  	s1 =	sld [smem:$0x3F9C];
	s0 =	simm.s32 @p0 $0x1  }
0x13: {  	[smem:$0x3FB7] =	sst s0;
	s0 =	simm.s32 @!p1 $0x0  }
0x14: {  	s2 =	sld [smem:$0x3F9B];
	s0 =	simm.s32 @p1 $0x1  }
0x15: {  	[smem:$0x3FB8] =	sst s0;
	s0 =	simm.s32 @!p2 $0x0  }
0x16: {  	s3 =	sld [smem:$0x3FDB];
	s0 =	simm.s32 @p2 $0x1  }
0x17: {  	s4 =	simm.s32 $0x1BF5;
	[smem:$0x3FBA] =	sst s0  }
0x18: {  	s0 =	sld [smem:$0x3F9D];
	_ =	swait.ge [sflag:s4], $0x0  }
0x19: {  	s7 =	sld [smem:$0x3F9E]  }
0x1a: {  	s8 =	sadd.s32 $0xFFFFE003, lr  }
0x1b: {  	s9 =	sadd.s32 $0xFFFFFEF7, lr;
	s5 =	simm.s32 $0xFFFFFFFF;
	p2 =	slt.u32 s8, $0xFFFFF086  }
0x1c: {  	p1 =	slt.u32 s9, $0xF7A;
	s5 =	simm.s32 @!p2 $0x0  }
0x1d: {  	s5 =	simm.s32 @p1 $0x1;
	p0 =	seq.s32 s7, s2  }
0x1e: {  	s7 =	smul.u32 @!p0 $0xF7A, s2;
	p2 =	seq.s32 @!p0 s5, $0x0  }
0x1f: {  	s9 =	smul.u32 $0xF7A, s1;
	s8 =	simm.s32 @!p0 $0x1BF5;
	p2 =	por !p2, p0  }
0x20: {  	[sflag:s8] =	ssyncset.s32 @!p0 $0xFFFFF086;
	s6 =	sadd.s32 @!p0 s3, s7;
	s7 =	simm.s32 @!p0 $0x108  }
0x21: {  	s3 =	sadd.s32 s3, s9;
	s6 =	sadd.s32 @!p0 $0x88, s6;
	s7 =	simm.s32 @p2 $0x1082  }
0x22: {  	[simem:s7], [sflag:s8] =	dma.local @!p0 [hbm:s6], $0xF7A  }
0x23: {  	s9 =	sor.u32 $0xD0000000, s2;
	s6 =	simm.s32 $0x108;
	_ =	swait.ge @!p0 [sflag:s8], $0x0  }
0x24: {  	s3 =	sadd.s32 $0x88, s3;
	s6 =	simm.s32 @!p1 $0x1082;
	[sflag:s4] =	ssyncset.s32 $0xFFFFF086  }
0x25: {  	[simem:s6], [sflag:s4] =	dma.local [hbm:s3], $0xF7A  }
0x26: {  	[smem:$0x3F9E] =	sst s1;
	(tag) =	ssettag s2;
	_ =	strace s9  }
0x27: {  	s1 =	sld [smem:$0x3FAE]  }
0x28: {  	s2 =	sld [smem:$0x3FAF]  }
0x29: {  	s4 =	sld [smem:$0x3FB1]  }
0x2a: {  	p0 =	seq.s32 s5, $0x0;
	s5 =	sld [smem:$0x3FB2]  }
0x2b: {  	s6 =	sld [smem:$0x3FB3]  }
0x2c: {  	s7 =	sld [smem:$0x3FB4]  }
0x2d: {  	s3 =	simm.s32 $0x108;
	s8 =	sld [smem:$0x3FB5]  }
0x2e: {  	s3 =	simm.s32 @!p0 $0x1082;
	s9 =	sld [smem:$0x3FB6]  }
0x2f: {  	lr =	sadd.s32 s0, s3;
	s0 =	sld [smem:$0x3FAD]  }
0x30: {  	s3 =	sld [smem:$0x3FB0]  }
0x31: {  	[smem:$0x3FB9] =	sst s10  }
0x32: {  	s10 =	sld [smem:$0x3FB7];
	_ =	sdelay $0x3  }
0x33: {  	p0 =	seq.s32 s10, $0x1;
	s10 =	sld [smem:$0x3FB9];
	_ =	sdelay $0x3  }
0x34: {  	[smem:$0x3FB9] =	sst s10  }
0x35: {  	s10 =	sld [smem:$0x3FB8];
	_ =	sdelay $0x3  }
0x36: {  	p1 =	seq.s32 s10, $0x1;
	s10 =	sld [smem:$0x3FB9];
	_ =	sdelay $0x3  }
0x37: {  	[smem:$0x3FB9] =	sst s10  }
0x38: {  	s10 =	sld [smem:$0x3FBA]  }
0x39: {  	_ = 	snop;
	(pc) =	sbr.ind lr, $3  }
0x3a: {  	_ = 	snop  }
0x3b: {  	_ = 	snop  }
0x3c: {  	p2 =	seq.s32 s10, $0x1;
	s10 =	sld [smem:$0x3FB9]  }
0x3d: {  	_ =	shalt  }
0x3e: {  	_ =	shalt  }
0x3f: {  	_ =	shalt  }
0x40: {  	_ =	shalt  }
0x41: {  	_ =	shalt  }
0x42: {  	_ =	shalt  }
0x43: {  	_ =	shalt  }
0x44: {  	_ =	shalt  }
0x45: {  	_ =	shalt  }
0x46: {  	_ =	shalt  }
0x47: {  	_ =	shalt  }
0x48: {  	_ =	shalt  }
0x49: {  	_ =	shalt  }
0x4a: {  	_ =	shalt  }
0x4b: {  	_ =	shalt  }
0x4c: {  	_ =	shalt  }
0x4d: {  	_ =	shalt  }
0x4e: {  	_ =	shalt  }
0x4f: {  	_ =	shalt  }
0x50: {  	_ =	shalt  }
0x51: {  	_ =	shalt  }
0x52: {  	_ =	shalt  }
0x53: {  	_ =	shalt  }
0x54: {  	_ =	shalt  }
0x55: {  	_ =	shalt  }
0x56: {  	_ =	shalt  }
0x57: {  	_ =	shalt  }
0x58: {  	_ =	shalt  }
0x59: {  	_ =	shalt  }
0x5a: {  	_ =	shalt  }
0x5b: {  	_ =	shalt  }
0x5c: {  	_ =	shalt  }
0x5d: {  	_ =	shalt  }
0x5e: {  	_ =	shalt  }
0x5f: {  	_ =	shalt  }
0x60: {  	_ =	shalt  }
0x61: {  	_ =	shalt  }
0x62: {  	_ =	shalt  }
0x63: {  	_ =	shalt  }
0x64: {  	_ =	shalt  }
0x65: {  	_ =	shalt  }
0x66: {  	_ =	shalt  }
0x67: {  	_ =	shalt  }
0x68: {  	_ =	shalt  }
0x69: {  	_ =	shalt  }
0x6a: {  	_ =	shalt  }
0x6b: {  	_ =	shalt  }
0x6c: {  	_ =	shalt  }
0x6d: {  	_ =	shalt  }
0x6e: {  	_ =	shalt  }
0x6f: {  	_ =	shalt  }
0x70: {  	_ =	shalt  }
0x71: {  	_ =	shalt  }
0x72: {  	_ =	shalt  }
0x73: {  	_ =	shalt  }
0x74: {  	_ =	shalt  }
0x75: {  	_ =	shalt  }
0x76: {  	_ =	shalt  }
0x77: {  	_ =	shalt  }
0x78: {  	_ =	shalt  }
0x79: {  	_ =	shalt  }
0x7a: {  	_ =	shalt  }
0x7b: {  	_ =	shalt  }
0x7c: {  	_ =	shalt  }
0x7d: {  	_ =	shalt  }
0x7e: {  	_ =	shalt  }
0x7f: {  	_ =	shalt  }
0x80: {  	_ =	shalt  }
0x81: {  	_ =	shalt  }
0x82: {  	_ =	shalt  }
0x83: {  	_ =	shalt  }
0x84: {  	_ =	shalt  }
0x85: {  	_ =	shalt  }
0x86: {  	_ =	shalt  }
0x87: {  	_ =	shalt  }
.Lfunc_end0:
.L_simem_size_0:
called_computation_lowered:
.L_overlay_start_0:
0x88: {  	s2 =	sld [smem:$0x3FD9]  }
0x89: {  	s3 =	sld [smem:$0x3FFE];
	_ =	sdelay $0x1  }
0x8a: {  	s1 =	srdreg.scid  }
0x8b: {  	s0 =	sand.u32 $0x1, s1  }
0x8c: {  	s15 =	sshll.u32 s0, $0xA;
	s2 =	sadd.s32 s3, s2  }
0x8d: {  	s2 =	sadd.s32 s2, s15  }
0x8e: {  	[smem:$0x3FC5] =	sst s2  }
0x8f: {  	_ = 	snop  }
0x90: {  	s2 =	sld [smem:$0x3FD0];
	_ =	sdelay $0x1  }
0x91: {  	s16 =	sld [smem:$0x3FC9]  }
0x92: {  	s5 =	simm.s32 $0xA;
	s6 =	simm.s32 $0x10;
	s4 =	sld [smem:$0x3FC7]  }
0x93: {  	[smem:s6], [sflag:s5] =	dma.local [hbm:s2], $0x1  }
0x94: {  	_ =	swait.eq [sflag:s5], $0x1  }
0x95: {  	[sflag:s5] =	ssyncset.done $0x0  }
0x96: {  	[sflag:s5] =	ssyncadd.s32 $0xFFFFFFFF  }
0x97: {  	s17 =	sld [smem:$0x10];
	(tm) =	ssettm $0x1  }
0x98: {  	s18 =	sld [smem:$0x3FFB];
	_ =	sdelay $0x3  }
0x99: {  	_ =	strace s18  }
0x9a: {  	s5 =	sld [smem:$0x3FFC];
	_ =	sdelay $0x3  }
0x9b: {  	_ =	strace s5  }
0x9c: {  	s5 =	sld [smem:$0x3FFD];
	_ =	sdelay $0x3  }
0x9d: {  	_ =	strace s5  }
0x9e: {  	_ =	strace $0x8FFFFFFF  }
0x9f: {  	s19 =	sld [smem:$0x3FDB];
	_ =	sdelay $0x1  }
0xa0: {  	s20 =	simm.s32 $_scs_section_size  }
0xa1: {  	s7 =	simm.s32 $_size__tile_overlayer_lowered;
	s8 =	simm.s32 $_tile_overlayer_lowered  }
0xa2: {  	s23 =	simm.s32 $0x1BFF;
	s22 =	sshll.u32 s8, $0x1;
	s5 =	sadd.s32 s20, s19  }
0xa3: {  	s9 =	simm.s32 $0x0;
	s21 =	sshll.u32 s7, $0x1;
	s7 =	sadd.s32 s22, s5  }
0xa4: {  	[timem:s9], [sflag:s23] =	dma.local [hbm:s7], s21  }
0xa5: {  	_ =	swait.ge [sflag:s23], s21  }
0xa6: {  	s6 =	ssub.s32 $0x0, s21;
	[sflag:s23] =	ssyncset.done $0x0  }
0xa7: {  	[sflag:s23] =	ssyncadd.s32 s6;
	_ =	sdelay $0x1  }
0xa8: {  	s24 =	simm.s32 $0x1B8B  }
0xa9: {  	_ =	swait.ge [sflag:s24], $0x1  }
0xaa: {  	[sflag:s24] =	ssyncset.done $0x0  }
0xab: {  	s25 =	simm.s32 $0x1B8E;
	[sflag:s24] =	ssyncadd.s32 $0xFFFFFFFF  }
0xac: {  	s26 =	simm.s32 $execute0_lowered;
	[smem:$0x3FD2] =	sst s25  }
0xad: {  	s6 =	sshll.u32 s26, $0x1;
	_ =	strace $0x80000046;
	[dreg:$0x1] =	wrdreg $0xFFFFFFFF  }
0xae: {  	s28 =	simm.s32 $_size_execute0_lowered;
	s5 =	sadd.s32 s5, s6;
	[dreg:$0x0] =	wrdreg $0x0  }
0xaf: {  	s6 =	sshll.u32 s28, $0x1;
	[dreg:$0x2] =	wrdreg s5  }
0xb0: {  	[dreg:$0x3] =	wrdreg s6  }
0xb1: {  	[dreg:$0x4] =	wrdreg $0xC0  }
0xb2: {  	_ =	task [dreg:s9], $0x5FFFF  }
0xb3: {  	[dreg:$0x1] =	wrdreg $0xFFFFFFFF  }
0xb4: {  	[dreg:$0x0] =	wrdreg $0x60  }
0xb5: {  	[dreg:$0x2] =	wrdreg s4  }
0xb6: {  	[dreg:$0x3] =	wrdreg s16  }
0xb7: {  	[dreg:$0x4] =	wrdreg s17  }
0xb8: {  	[dreg:$0x5] =	wrdreg $0x9  }
0xb9: {  	_ =	task.clear_ibuf [dreg:s9], $0x6FFFF;
	_ =	strace $0x90000046  }
0xba: {  	s29 =	simm.s32 $0x9;
	_ =	strace $0x80000048  }
0xbb: {  	_ =	swait.ge [sflag:s29], $0x1  }
0xbc: {  	[sflag:s29] =	ssyncadd.s32 $0xFFFFFFFF  }
0xbd: {  	_ =	strace $0x90000048  }
0xbe: {  	_ =	sfence  }
0xbf: {  	s30 =	sld [smem:$0x0];
	_ =	sdelay $0x2  }
0xc0: {  	s31 =	sshll.u32 s1, $0xD;
	s1 =	sshrl.u32 s1, $0x2  }
0xc1: {  	s3 =	sand.u32 $0x4000, s31;
	s1 =	sadd.s32 s1, s30  }
0xc2: {  	s0 =	sor.u32 s3, s0;
	s1 =	sshll.u32 s1, $0x11  }
0xc3: {  	s0 =	sor.u32 s1, s0  }
0xc4: {  	s0 =	sadd.s32 $0x8F2B, s0  }
0xc5: {  	[sflag:s0] =	ssyncadd.remote.s32 $0x1  }
0xc6: {  	_ =	sfence.sel $0xFFFF  }
0xc7: {  	[dreg:$0x0] =	wrdreg $0xFFFFFFFF;
	(pc) =	sbr.abs _section_cstart, $3  }
0xc8: {  	[dreg:$0x1] =	wrdreg $0xFFFFFFFF  }
0xc9: {  	_ =	task.clear_ibuf [dreg:s9], $0x2FFFF;
	_ =	strace $0x9FFFFFFF  }
0xca: {  	(tm) =	ssettm $0x7FFFFFFF  }
0xcb: {  	_ =	shalt  }
tec
execute0_lowered:
.L_overlay_start_1:
0x0: {  	(tag) =	ssettag $0x1  }
0x1: {  	s0 =	srdreg.scid  }
0x2: {  	s13 =	sand.u32 $0x1, s0  }
0x3: {  	s2 =	rddreg [dreg:$0x0];
	s0 =	stileid.u32;
	s1 =	sshll.u32 s13, $0x4  }
0x4: {  	s3 =	rddreg [dreg:$0x1];
	s7 =	sor.u32 s0, s1  }
0x5: {  	s12 =	rddreg [dreg:$0x2];
	s4 =	simm.s32 $0x0;
	s5 =	sshll.u32 s7, $0x4  }
0x6: {  	[smem:$0x7FF] =	sst s4;
	s5 =	sor.u32 s0, s5  }
0x7: {  	s1 =	rddreg [dreg:$0x3];
	_ =	strace $0x80000047;
	s5 =	sand.u32 $0x187, s5  }
0x8: {  	[tilespmem:s4], [sflag:$0x3] =	stream.linear.gather [hbm4b:s3+s4], $0x200, $0x38;
	v0 =	vmov s5;
	[tilespmem:$0x2200] =	vst v63  }
0x9: {  	s5 =	simm.s32 $0x3  }
0xa: {  	_ =	swait.ge [sflag:s5], $0x200  }
0xb: {  	[sflag:s5] =	ssyncset.done $0x0  }
0xc: {  	[sflag:s5] =	ssyncadd.s32 $0xFFFFFE00  }
0xd: {  	v1 =	vld.idx.msk [tilespmem:v0+s4+$0x0], $0xffff;
	_ =	sdelay $0x4  }
0xe: {  	v1 =	vxor.u32 $0x80000000, v1  }
0xf: {  	(xrf0) =	vmax.scan.msk.u32 $0xffff, v1;
	_ =	sdelay $0x5  }
0x10: {  	v1, _, _ =	vpop (xrf0)  }
0x11: {  	(v2sf) =	vpush v1, $0xF;
	_ =	sdelay $0xe  }
0x12: {  	s6 =	spop (v2sf)  }
0x13: {  	s8 =	sshll.u32 s6, $0xD;
	s6 =	sshll.u32 s6, $0x7  }
0x14: {  	s8 =	sand.u32 $0xFFFF0000, s8;
	s9 =	sand.u32 $0x380, s6  }
0x15: {  	s11 =	simm.s32 $0x1;
	s14 =	sshll.u32 s7, $0xA;
	s8 =	sor.u32 s9, s8  }
0x16: {  	s7 =	simm.s32 $0x80;
	s6 =	sadd.s32 $0x1000, s2;
	s16 =	sshrl.u32 s8, $0x3  }
0x17: {  	s9 =	simm.s32 $0x200;
	s8 =	simm.s32 $0x400;
	s10 =	sadd.s32 s2, s16  }
0x18: {  	[tilespmem:s9], [sflag:$0x1] =	stream.strided.gather [hbm4b:s10+s7], $0x1000, s8, s7, $0x38;
	[tilespmem:$0x2200] =	vst v63  }
0x19: {  	s15 =	sshll.u32 s0, $0x4;
	s16 =	sadd.s32 s16, s6;
	s10 =	simm.s32 $0x1200  }
0x1a: {  	[tilespmem:s10], [sflag:$0x1] =	stream.strided.gather [hbm4b:s16+s7], $0x1000, s8, s7, $0x38;
	[tilespmem:$0x2200] =	vst v63  }
0x1b: {  	s14 =	sor.u32 s15, s14;
	_ =	swait.ge [sflag:s11], $0x1000  }
0x1c: {  	s30 =	ssub.s32 $0x2, s13;
	s14 =	sand.u32 $0x6070, s14;
	[sflag:s11] =	ssyncset.done $0x0  }
0x1d: {  	s31 =	sshrl.u32 s30, $0x1;
	s12 =	sadd.s32 s12, s14;
	[sflag:s11] =	ssyncadd.s32 $0xFFFFF000  }
0x1e: {  	[hbm4b:s12+s7] =	stream.strided.scatter [tilespmem:s9], [sflag:$0x2], $0x1000, s8, s7, $0x38;
	[tilespmem:$0x2200] =	vst v63  }
0x1f: {  	s15 =	ssub.s32 s30, s31;
	_ =	swait.ge [sflag:s11], $0x1000  }
0x20: {  	s13 =	simm.s32 $0x2;
	s15 =	smax.u32 s15, $0x1;
	[sflag:s11] =	ssyncset.done $0x0  }
0x21: {  	p0 =	sne.s32 s15, $0x1;
	s14 =	sadd.s32 $0x1000, s12;
	[sflag:s11] =	ssyncadd.s32 $0xFFFFF000  }
0x22: {  	[hbm4b:s14+s7] =	stream.strided.scatter [tilespmem:s10], [sflag:$0x2], $0x1000, s8, s7, $0x38;
	[tilespmem:$0x2200] =	vst v63  }
.Ltmp0:
0x23: {  	_ =	swait.ge [sflag:s13], $0x1000;
	(pc) =	sbr.rel @!p0 .LBB2_2-.Ltmp0, $4  }
0x24: {  	[sflag:s13] =	ssyncset.done $0x0  }
0x25: {  	[sflag:s13] =	ssyncadd.s32 $0xFFFFF000  }
0x26: {  	_ =	swait.ge [sflag:s13], $0x1000  }
0x27: {  	s15 =	sadd.s32 $0xFFFFFFFF, s15;
	[sflag:s13] =	ssyncset.done $0x0  }
.LBB2_1:
0x28: {  	p0 =	sne.s32 s15, $0x1;
	s15 =	sadd.s32 $0xFFFFFFFF, s15;
	[sflag:s13] =	ssyncadd.s32 $0xFFFFF000  }
0x29: {  	[tilespmem:s4], [sflag:$0x3] =	stream.linear.gather [hbm4b:s3+s4], $0x200, $0x38;
	[tilespmem:$0x2200] =	vst v63  }
0x2a: {  	_ =	swait.ge [sflag:s5], $0x200  }
0x2b: {  	[sflag:s5] =	ssyncset.done $0x0  }
0x2c: {  	[sflag:s5] =	ssyncadd.s32 $0xFFFFFE00  }
0x2d: {  	v1 =	vld.idx.msk [tilespmem:v0+s4+$0x0], $0xffff;
	_ =	sdelay $0x5  }
0x2e: {  	v1 =	vxor.u32 $0x80000000, v1  }
0x2f: {  	(xrf0) =	vmax.scan.msk.u32 $0xffff, v1;
	_ =	sdelay $0x5  }
0x30: {  	v1, _, _ =	vpop (xrf0)  }
0x31: {  	(v2sf) =	vpush v1, $0xF;
	_ =	sdelay $0xe  }
0x32: {  	s16 =	spop (v2sf)  }
0x33: {  	s17 =	sshll.u32 s16, $0xD;
	s16 =	sshll.u32 s16, $0x7  }
0x34: {  	s17 =	sand.u32 $0xFFFF0000, s17;
	s16 =	sand.u32 $0x380, s16  }
0x35: {  	s16 =	sor.u32 s16, s17  }
0x36: {  	s16 =	sshrl.u32 s16, $0x3  }
0x37: {  	s17 =	sadd.s32 s2, s16  }
0x38: {  	[tilespmem:s9], [sflag:$0x1] =	stream.strided.gather [hbm4b:s17+s7], $0x1000, s8, s7, $0x38;
	[tilespmem:$0x2200] =	vst v63  }
0x39: {  	s16 =	sadd.s32 s16, s6  }
0x3a: {  	[tilespmem:s10], [sflag:$0x1] =	stream.strided.gather [hbm4b:s16+s7], $0x1000, s8, s7, $0x38;
	[tilespmem:$0x2200] =	vst v63  }
0x3b: {  	_ =	swait.ge [sflag:s11], $0x1000  }
0x3c: {  	[sflag:s11] =	ssyncset.done $0x0  }
0x3d: {  	[sflag:s11] =	ssyncadd.s32 $0xFFFFF000  }
0x3e: {  	[hbm4b:s12+s7] =	stream.strided.scatter [tilespmem:s9], [sflag:$0x2], $0x1000, s8, s7, $0x38;
	[tilespmem:$0x2200] =	vst v63  }
0x3f: {  	_ =	swait.ge [sflag:s11], $0x1000  }
0x40: {  	[sflag:s11] =	ssyncset.done $0x0  }
0x41: {  	[sflag:s11] =	ssyncadd.s32 $0xFFFFF000  }
0x42: {  	[hbm4b:s14+s7] =	stream.strided.scatter [tilespmem:s10], [sflag:$0x2], $0x1000, s8, s7, $0x38;
	[tilespmem:$0x2200] =	vst v63  }
.Ltmp1:
0x43: {  	_ =	swait.ge [sflag:s13], $0x1000;
	(pc) =	sbr.rel @p0 .LBB2_1-.Ltmp1, $4  }
0x44: {  	[sflag:s13] =	ssyncset.done $0x0  }
0x45: {  	[sflag:s13] =	ssyncadd.s32 $0xFFFFF000  }
0x46: {  	_ =	swait.ge [sflag:s13], $0x1000  }
0x47: {  	[sflag:s13] =	ssyncset.done $0x0  }
.LBB2_2:
0x48: {  	[sflag:s13] =	ssyncadd.s32 $0xFFFFF000  }
0x49: {  	_ =	sfence.sel $0x180000  }
0x4a: {  	[bflag:$0x0] =	sbarrier.arrive $0xFFFF  }
0x4b: {  	p0 =	sne.s32 s0, $0x0;
	_ =	strace $0x90000047  }
0x4c: {  	s0 =	sadd.s32 @!p0 $0x100000, s1;
	[bflag:$0x2] =	sbarrier.arrive $0xFFFF  }
0x4d: {  	[sflag:s0] =	ssyncadd.tile.s32 @!p0 $0x1;
	_ =	shalt  }
.Lfunc_end2:
_tile_overlayer_lowered:
.L_overlay_start_2:
0x4e: {  	(tag) =	ssettag $0x2  }
0x4f: {  	s0 =	rddreg [dreg:$0x0];
	s2 =	stileid.u32  }
0x50: {  	s1 =	rddreg [dreg:$0x1];
	p0 =	sne.s32 s2, $0x0  }
0x51: {  	s3 =	rddreg [dreg:$0x2];
	[bflag:$0x3] =	sbarrier.arrive $0xFFFF;
	s2 =	simm.s32 @!p0 $0x1C03  }
0x52: {  	[timem:s3], [sflag:s2] =	dma.local @!p0 [hbm:s0], s1  }
0x53: {  	s0 =	simm.s32 @!p0 $0x3  }
0x54: {  	_ =	swait.ge @!p0 [sflag:s0], s1  }
0x55: {  	s1 =	ssub.s32 @!p0 $0x0, s1;
	[sflag:s0] =	ssyncset.done @!p0 $0x0  }
0x56: {  	[sflag:s0] =	ssyncadd.s32 @!p0 s1  }
0x57: {  	[bflag:$0x3] =	sbarrier.arrive $0xFFFF  }
0x58: {  	_ =	shalt  }

</sc_bundles>
